<compile_context>
chip_gen: v7x
topology: tpu7x:2x2x1
jax: 0.10.2.dev20260603
libtpu: 0.0.44.dev20260713+nightly
codegen_flags: <defaults>
</compile_context>

<pallas_src>
import dataclasses

import jax
import jax.numpy as jnp
from jax import lax
from jax.experimental import pallas as pl
from jax.experimental.pallas import tpu as pltpu
from jax.experimental.pallas import tpu_sc as plsc

B = 16384
F = 26
K = 1000
VB = 16
GRP = 8
CHUNK = 16 * VB * GRP
NCH = B // CHUNK


def _gather_kernel(lab_hbm, mean_hbm, logvar_hbm, out_m_hbm, out_lv_hbm,
                   lab_v, mean_v, logvar_v, om_v, olv_v,
                   sem_a, sem_b, sem_c):
    wid = lax.axis_index("subcore") * 2 + lax.axis_index("core")

    @pl.when(wid < F)
    def _():
        col = pl.ds(wid, 1)
        ca = pltpu.async_copy(lab_hbm.at[col, :], lab_v, sem_a)
        cb = pltpu.async_copy(mean_hbm.at[col, :], mean_v, sem_b)
        cc = pltpu.async_copy(logvar_hbm.at[col, :], logvar_v, sem_c)
        cb.wait(); cc.wait(); ca.wait()

        row = jnp.zeros((VB,), jnp.int32)

        @pl.loop(0, NCH)
        def _(c):
            i0 = pl.multiple_of(c * CHUNK, CHUNK)

            @pl.loop(0, CHUNK // (GRP * VB))
            def _(g):
                b0 = i0 + pl.multiple_of(g * GRP * VB, GRP * VB)
                sls = [pl.ds(b0 + v * VB, VB) for v in range(GRP)]
                labs = [lab_v[0, sl] for sl in sls]
                ms = [plsc.load_gather(mean_v, [row, lab]) for lab in labs]
                lvs = [plsc.load_gather(logvar_v, [row, lab]) for lab in labs]
                for sl, m in zip(sls, ms):
                    om_v[0, sl] = m
                for sl, lv in zip(sls, lvs):
                    olv_v[0, sl] = lv

            cs = pl.ds(c * CHUNK, CHUNK)
            pltpu.async_copy(om_v.at[:, cs], out_m_hbm.at[col, cs], sem_a)
            pltpu.async_copy(olv_v.at[:, cs], out_lv_hbm.at[col, cs], sem_b)

        pltpu.make_async_copy(om_v, out_m_hbm.at[col, :], sem_a).wait()
        pltpu.make_async_copy(olv_v, out_lv_hbm.at[col, :], sem_b).wait()


@jax.jit
def kernel(labels, mean, log_var):
    mesh = plsc.VectorSubcoreMesh(core_axis_name="core",
                                  subcore_axis_name="subcore")
    cp = pltpu.CompilerParams(use_tc_tiling_on_sc=True)
    if "needs_layout_passes" in pltpu.CompilerParams.__dataclass_fields__:
        cp = dataclasses.replace(cp, needs_layout_passes=False)
    run = pl.kernel(
        _gather_kernel,
        out_type=(jax.ShapeDtypeStruct((F, B), jnp.float32),
                  jax.ShapeDtypeStruct((F, B), jnp.float32)),
        mesh=mesh,
        scratch_types=[
            pltpu.VMEM((1, B), jnp.int32),
            pltpu.VMEM((1, K), jnp.float32),
            pltpu.VMEM((1, K), jnp.float32),
            pltpu.VMEM((1, B), jnp.float32),
            pltpu.VMEM((1, B), jnp.float32),
            pltpu.SemaphoreType.DMA,
            pltpu.SemaphoreType.DMA,
            pltpu.SemaphoreType.DMA,
        ],
        compiler_params=cp,
    )
    om_t, olv_t = run(labels.astype(jnp.int32).T, mean, log_var)
    return om_t.T, olv_t.T

# --- scband reference (transcript-rebuilt; emitter-appended) ---
"""Pipeline reference for scband-concept-gaussians-21105469292824 (READ-ONLY COPY).

The authoritative reference and input builder live on the scoring server;
editing this copy changes nothing except your own understanding.
"""

import jax, jax.numpy as jnp
import numpy as np

B = 16384   # batch of label rows
F = 26      # number of concept domains (input_shape[1])
K = 1000    # max_concepts across domains


def setup_inputs(seed: int = 0) -> dict:
    key = jax.random.key(seed)
    k1, k2, k3 = jax.random.split(key, 3)
    labels = jax.random.randint(k1, (B, F), 0, K, dtype=jnp.int64 if jax.config.jax_enable_x64 else jnp.int32)
    # Learned parameters, sized/initialized as in ConceptGaussians.build
    mean = jax.random.uniform(k2, (F, K), minval=-10.0, maxval=10.0, dtype=jnp.float32)
    log_var = jax.random.uniform(k3, (F, K), minval=-7.0, maxval=0.5, dtype=jnp.float32)
    return {"labels": labels, "mean": mean, "log_var": log_var}


def reference(labels, mean, log_var):
    # out[i, j] = mean[j, labels[i, j]] ; same for log_var.
    # Vectorized per-column gather (equivalent to the original python double loop).
    j = jnp.arange(mean.shape[0])[None, :]          # [1, F] broadcasts to [B, F]
    required_means = mean[j, labels]                # gather -> [B, F]
    required_log_vars = log_var[j, labels]          # gather -> [B, F]
    return (required_means, required_log_vars)

if __name__ == "__main__":
    import jax
    _d = setup_inputs()
    print(jax.jit(kernel)(*tuple(_d.values())))

</pallas_src>

<mosaic_0001>
#map = affine_map<(d0, d1) -> (0, 0)>
module attributes {stable_mosaic.version = 14 : i64} {
  func.func @_gather_kernel(%arg0: i32, %arg1: i32, %arg2: memref<26x16384xi32, #tpu.memory_space<hbm>>, %arg3: memref<26x1000xf32, #tpu.memory_space<hbm>>, %arg4: memref<26x1000xf32, #tpu.memory_space<hbm>>, %arg5: memref<26x16384xf32, #tpu.memory_space<hbm>>, %arg6: memref<26x16384xf32, #tpu.memory_space<hbm>>, %arg7: memref<1x16384xi32, #tpu.memory_space<vmem>>, %arg8: memref<1x1000xf32, #tpu.memory_space<vmem>>, %arg9: memref<1x1000xf32, #tpu.memory_space<vmem>>, %arg10: memref<1x16384xf32, #tpu.memory_space<vmem>>, %arg11: memref<1x16384xf32, #tpu.memory_space<vmem>>, %arg12: memref<!tpu.dma_semaphore, #tpu.memory_space<semaphore_mem>>, %arg13: memref<!tpu.dma_semaphore, #tpu.memory_space<semaphore_mem>>, %arg14: memref<!tpu.dma_semaphore, #tpu.memory_space<semaphore_mem>>) attributes {dimension_semantics = [#tpu.dimension_semantics<core_parallel>, #tpu.dimension_semantics<subcore_parallel>], iteration_bounds = array<i64: 2, 16>, scalar_prefetch = 0 : i64, scratch_operands = 8 : i64, tpu.core_type = #tpu.core_type<sc_vector_subcore>, window_params = [{transform_indices = #map}, {transform_indices = #map}, {transform_indices = #map}, {transform_indices = #map}, {transform_indices = #map}]} {
    %mul3A = arith.constant 2 : i32
    %mul3A_0 = arith.muli %arg1, %mul3A : i32
    %add3A = arith.addi %mul3A_0, %arg0 : i32
    %lt3A = arith.constant 26 : i32
    %lt3A_1 = arith.cmpi slt, %add3A, %lt3A : i32
    %convert_element_type3A = arith.extui %lt3A_1 : i1 to i32
    %cond3A = arith.constant 0 : i32
    %cond3A_2 = arith.cmpi ne, %convert_element_type3A, %cond3A : i32
    scf.if %cond3A_2 {
      %dma_start3A = arith.constant 0 : i32
      %dma_start3A_3 = tpu.memref_slice %arg2[%add3A, %dma_start3A] : memref<26x16384xi32, #tpu.memory_space<hbm>> -> memref<1x16384xi32, #tpu.memory_space<hbm>>
      %dma_start3A_4 = arith.constant 0 : i32
      %dma_start3A_5 = tpu.memref_slice %arg2[%add3A, %dma_start3A_4] : memref<26x16384xi32, #tpu.memory_space<hbm>> -> memref<1x16384xi32, #tpu.memory_space<hbm>>
      tpu.enqueue_dma source(%dma_start3A_5 : memref<1x16384xi32, #tpu.memory_space<hbm>>) target(%arg7 : memref<1x16384xi32, #tpu.memory_space<vmem>>) target_semaphore(%arg12 : memref<!tpu.dma_semaphore, #tpu.memory_space<semaphore_mem>>)
      %dma_start3A_6 = arith.constant 0 : i32
      %dma_start3A_7 = tpu.memref_slice %arg3[%add3A, %dma_start3A_6] : memref<26x1000xf32, #tpu.memory_space<hbm>> -> memref<1x1000xf32, #tpu.memory_space<hbm>>
      %dma_start3A_8 = arith.constant 0 : i32
      %dma_start3A_9 = tpu.memref_slice %arg3[%add3A, %dma_start3A_8] : memref<26x1000xf32, #tpu.memory_space<hbm>> -> memref<1x1000xf32, #tpu.memory_space<hbm>>
      tpu.enqueue_dma source(%dma_start3A_9 : memref<1x1000xf32, #tpu.memory_space<hbm>>) target(%arg8 : memref<1x1000xf32, #tpu.memory_space<vmem>>) target_semaphore(%arg13 : memref<!tpu.dma_semaphore, #tpu.memory_space<semaphore_mem>>)
      %dma_start3A_10 = arith.constant 0 : i32
      %dma_start3A_11 = tpu.memref_slice %arg4[%add3A, %dma_start3A_10] : memref<26x1000xf32, #tpu.memory_space<hbm>> -> memref<1x1000xf32, #tpu.memory_space<hbm>>
      %dma_start3A_12 = arith.constant 0 : i32
      %dma_start3A_13 = tpu.memref_slice %arg4[%add3A, %dma_start3A_12] : memref<26x1000xf32, #tpu.memory_space<hbm>> -> memref<1x1000xf32, #tpu.memory_space<hbm>>
      tpu.enqueue_dma source(%dma_start3A_13 : memref<1x1000xf32, #tpu.memory_space<hbm>>) target(%arg9 : memref<1x1000xf32, #tpu.memory_space<vmem>>) target_semaphore(%arg14 : memref<!tpu.dma_semaphore, #tpu.memory_space<semaphore_mem>>)
      %dma_wait3A = arith.constant 0 : i32
      %dma_wait3A_14 = tpu.memref_slice %arg3[%add3A, %dma_wait3A] : memref<26x1000xf32, #tpu.memory_space<hbm>> -> memref<1x1000xf32, #tpu.memory_space<hbm>>
      %dma_wait3A_15 = arith.constant 0 : i32
      %dma_wait3A_16 = tpu.memref_slice %arg3[%add3A, %dma_wait3A_15] : memref<26x1000xf32, #tpu.memory_space<hbm>> -> memref<1x1000xf32, #tpu.memory_space<hbm>>
      tpu.wait_dma2 semaphore(%arg13 : memref<!tpu.dma_semaphore, #tpu.memory_space<semaphore_mem>>) src(%dma_wait3A_16 : memref<1x1000xf32, #tpu.memory_space<hbm>>) dst(%arg8 : memref<1x1000xf32, #tpu.memory_space<vmem>>)
      %dma_wait3A_17 = arith.constant 0 : i32
      %dma_wait3A_18 = tpu.memref_slice %arg4[%add3A, %dma_wait3A_17] : memref<26x1000xf32, #tpu.memory_space<hbm>> -> memref<1x1000xf32, #tpu.memory_space<hbm>>
      %dma_wait3A_19 = arith.constant 0 : i32
      %dma_wait3A_20 = tpu.memref_slice %arg4[%add3A, %dma_wait3A_19] : memref<26x1000xf32, #tpu.memory_space<hbm>> -> memref<1x1000xf32, #tpu.memory_space<hbm>>
      tpu.wait_dma2 semaphore(%arg14 : memref<!tpu.dma_semaphore, #tpu.memory_space<semaphore_mem>>) src(%dma_wait3A_20 : memref<1x1000xf32, #tpu.memory_space<hbm>>) dst(%arg9 : memref<1x1000xf32, #tpu.memory_space<vmem>>)
      %dma_wait3A_21 = arith.constant 0 : i32
      %dma_wait3A_22 = tpu.memref_slice %arg2[%add3A, %dma_wait3A_21] : memref<26x16384xi32, #tpu.memory_space<hbm>> -> memref<1x16384xi32, #tpu.memory_space<hbm>>
      %dma_wait3A_23 = arith.constant 0 : i32
      %dma_wait3A_24 = tpu.memref_slice %arg2[%add3A, %dma_wait3A_23] : memref<26x16384xi32, #tpu.memory_space<hbm>> -> memref<1x16384xi32, #tpu.memory_space<hbm>>
      tpu.wait_dma2 semaphore(%arg12 : memref<!tpu.dma_semaphore, #tpu.memory_space<semaphore_mem>>) src(%dma_wait3A_24 : memref<1x16384xi32, #tpu.memory_space<hbm>>) dst(%arg7 : memref<1x16384xi32, #tpu.memory_space<vmem>>)
      %broadcast_in_dim3A = arith.constant 0 : i32
      %broadcast_in_dim3A_25 = vector.broadcast %broadcast_in_dim3A : i32 to vector<16xi32>
      %scan3A = arith.constant 0 : i32
      %scan3A_26 = arith.constant 8 : i32
      %scan3A_27 = arith.addi %scan3A, %scan3A_26 : i32
      %scan3A_28 = arith.constant 1 : i32
      scf.for %scan3A_38 = %scan3A to %scan3A_27 step %scan3A_28  : i32 {
        %mul3A_39 = arith.constant 1 : i32
        %mul3A_40 = arith.muli %scan3A_38, %mul3A_39 : i32
        %add3A_41 = arith.constant 0 : i32
        %add3A_42 = arith.addi %add3A_41, %mul3A_40 : i32
        %mul3A_43 = arith.constant 2048 : i32
        %mul3A_44 = arith.muli %add3A_42, %mul3A_43 : i32
        %multiple_of3A = tpu.assume_multiple %mul3A_44, 2048 : i32
        %scan3A_45 = arith.constant 0 : i32
        %scan3A_46 = arith.constant 16 : i32
        %scan3A_47 = arith.addi %scan3A_45, %scan3A_46 : i32
        %scan3A_48 = arith.constant 1 : i32
        scf.for %scan3A_64 = %scan3A_45 to %scan3A_47 step %scan3A_48  : i32 {
          %mul3A_65 = arith.constant 1 : i32
          %mul3A_66 = arith.muli %scan3A_64, %mul3A_65 : i32
          %add3A_67 = arith.constant 0 : i32
          %add3A_68 = arith.addi %add3A_67, %mul3A_66 : i32
          %mul3A_69 = arith.constant 8 : i32
          %mul3A_70 = arith.muli %add3A_68, %mul3A_69 : i32
          %mul3A_71 = arith.constant 16 : i32
          %mul3A_72 = arith.muli %mul3A_70, %mul3A_71 : i32
          %multiple_of3A_73 = tpu.assume_multiple %mul3A_72, 128 : i32
          %add3A_74 = arith.addi %multiple_of3A, %multiple_of3A_73 : i32
          %add3A_75 = arith.constant 0 : i32
          %add3A_76 = arith.addi %add3A_74, %add3A_75 : i32
          %add3A_77 = arith.constant 16 : i32
          %add3A_78 = arith.addi %add3A_74, %add3A_77 : i32
          %add3A_79 = arith.constant 32 : i32
          %add3A_80 = arith.addi %add3A_74, %add3A_79 : i32
          %add3A_81 = arith.constant 48 : i32
          %add3A_82 = arith.addi %add3A_74, %add3A_81 : i32
          %add3A_83 = arith.constant 64 : i32
          %add3A_84 = arith.addi %add3A_74, %add3A_83 : i32
          %add3A_85 = arith.constant 80 : i32
          %add3A_86 = arith.addi %add3A_74, %add3A_85 : i32
          %add3A_87 = arith.constant 96 : i32
          %add3A_88 = arith.addi %add3A_74, %add3A_87 : i32
          %add3A_89 = arith.constant 112 : i32
          %add3A_90 = arith.addi %add3A_74, %add3A_89 : i32
          %get3A = arith.constant 0 : i32
          %get3A_91 = arith.index_cast %get3A : i32 to index
          %get3A_92 = arith.index_cast %add3A_76 : i32 to index
          %get3A_93 = tpu.vector_load %arg7[%get3A_91, %get3A_92] {strides = array<i32>} : memref<1x16384xi32, #tpu.memory_space<vmem>>, vector<16xi32>,
          %get3A_94 = arith.constant 0 : i32
          %get3A_95 = arith.index_cast %get3A_94 : i32 to index
          %get3A_96 = arith.index_cast %add3A_78 : i32 to index
          %get3A_97 = tpu.vector_load %arg7[%get3A_95, %get3A_96] {strides = array<i32>} : memref<1x16384xi32, #tpu.memory_space<vmem>>, vector<16xi32>,
          %get3A_98 = arith.constant 0 : i32
          %get3A_99 = arith.index_cast %get3A_98 : i32 to index
          %get3A_100 = arith.index_cast %add3A_80 : i32 to index
          %get3A_101 = tpu.vector_load %arg7[%get3A_99, %get3A_100] {strides = array<i32>} : memref<1x16384xi32, #tpu.memory_space<vmem>>, vector<16xi32>,
          %get3A_102 = arith.constant 0 : i32
          %get3A_103 = arith.index_cast %get3A_102 : i32 to index
          %get3A_104 = arith.index_cast %add3A_82 : i32 to index
          %get3A_105 = tpu.vector_load %arg7[%get3A_103, %get3A_104] {strides = array<i32>} : memref<1x16384xi32, #tpu.memory_space<vmem>>, vector<16xi32>,
          %get3A_106 = arith.constant 0 : i32
          %get3A_107 = arith.index_cast %get3A_106 : i32 to index
          %get3A_108 = arith.index_cast %add3A_84 : i32 to index
          %get3A_109 = tpu.vector_load %arg7[%get3A_107, %get3A_108] {strides = array<i32>} : memref<1x16384xi32, #tpu.memory_space<vmem>>, vector<16xi32>,
          %get3A_110 = arith.constant 0 : i32
          %get3A_111 = arith.index_cast %get3A_110 : i32 to index
          %get3A_112 = arith.index_cast %add3A_86 : i32 to index
          %get3A_113 = tpu.vector_load %arg7[%get3A_111, %get3A_112] {strides = array<i32>} : memref<1x16384xi32, #tpu.memory_space<vmem>>, vector<16xi32>,
          %get3A_114 = arith.constant 0 : i32
          %get3A_115 = arith.index_cast %get3A_114 : i32 to index
          %get3A_116 = arith.index_cast %add3A_88 : i32 to index
          %get3A_117 = tpu.vector_load %arg7[%get3A_115, %get3A_116] {strides = array<i32>} : memref<1x16384xi32, #tpu.memory_space<vmem>>, vector<16xi32>,
          %get3A_118 = arith.constant 0 : i32
          %get3A_119 = arith.index_cast %get3A_118 : i32 to index
          %get3A_120 = arith.index_cast %add3A_90 : i32 to index
          %get3A_121 = tpu.vector_load %arg7[%get3A_119, %get3A_120] {strides = array<i32>} : memref<1x16384xi32, #tpu.memory_space<vmem>>, vector<16xi32>,
          %gather3A = tpu.vector_load_idx %arg8[%broadcast_in_dim3A_25, %get3A_93] : memref<1x1000xf32, #tpu.memory_space<vmem>>[vector<16xi32>, vector<16xi32>], vector<16xf32>,
          %gather3A_122 = tpu.vector_load_idx %arg8[%broadcast_in_dim3A_25, %get3A_97] : memref<1x1000xf32, #tpu.memory_space<vmem>>[vector<16xi32>, vector<16xi32>], vector<16xf32>,
          %gather3A_123 = tpu.vector_load_idx %arg8[%broadcast_in_dim3A_25, %get3A_101] : memref<1x1000xf32, #tpu.memory_space<vmem>>[vector<16xi32>, vector<16xi32>], vector<16xf32>,
          %gather3A_124 = tpu.vector_load_idx %arg8[%broadcast_in_dim3A_25, %get3A_105] : memref<1x1000xf32, #tpu.memory_space<vmem>>[vector<16xi32>, vector<16xi32>], vector<16xf32>,
          %gather3A_125 = tpu.vector_load_idx %arg8[%broadcast_in_dim3A_25, %get3A_109] : memref<1x1000xf32, #tpu.memory_space<vmem>>[vector<16xi32>, vector<16xi32>], vector<16xf32>,
          %gather3A_126 = tpu.vector_load_idx %arg8[%broadcast_in_dim3A_25, %get3A_113] : memref<1x1000xf32, #tpu.memory_space<vmem>>[vector<16xi32>, vector<16xi32>], vector<16xf32>,
          %gather3A_127 = tpu.vector_load_idx %arg8[%broadcast_in_dim3A_25, %get3A_117] : memref<1x1000xf32, #tpu.memory_space<vmem>>[vector<16xi32>, vector<16xi32>], vector<16xf32>,
          %gather3A_128 = tpu.vector_load_idx %arg8[%broadcast_in_dim3A_25, %get3A_121] : memref<1x1000xf32, #tpu.memory_space<vmem>>[vector<16xi32>, vector<16xi32>], vector<16xf32>,
          %gather3A_129 = tpu.vector_load_idx %arg9[%broadcast_in_dim3A_25, %get3A_93] : memref<1x1000xf32, #tpu.memory_space<vmem>>[vector<16xi32>, vector<16xi32>], vector<16xf32>,
          %gather3A_130 = tpu.vector_load_idx %arg9[%broadcast_in_dim3A_25, %get3A_97] : memref<1x1000xf32, #tpu.memory_space<vmem>>[vector<16xi32>, vector<16xi32>], vector<16xf32>,
          %gather3A_131 = tpu.vector_load_idx %arg9[%broadcast_in_dim3A_25, %get3A_101] : memref<1x1000xf32, #tpu.memory_space<vmem>>[vector<16xi32>, vector<16xi32>], vector<16xf32>,
          %gather3A_132 = tpu.vector_load_idx %arg9[%broadcast_in_dim3A_25, %get3A_105] : memref<1x1000xf32, #tpu.memory_space<vmem>>[vector<16xi32>, vector<16xi32>], vector<16xf32>,
          %gather3A_133 = tpu.vector_load_idx %arg9[%broadcast_in_dim3A_25, %get3A_109] : memref<1x1000xf32, #tpu.memory_space<vmem>>[vector<16xi32>, vector<16xi32>], vector<16xf32>,
          %gather3A_134 = tpu.vector_load_idx %arg9[%broadcast_in_dim3A_25, %get3A_113] : memref<1x1000xf32, #tpu.memory_space<vmem>>[vector<16xi32>, vector<16xi32>], vector<16xf32>,
          %gather3A_135 = tpu.vector_load_idx %arg9[%broadcast_in_dim3A_25, %get3A_117] : memref<1x1000xf32, #tpu.memory_space<vmem>>[vector<16xi32>, vector<16xi32>], vector<16xf32>,
          %gather3A_136 = tpu.vector_load_idx %arg9[%broadcast_in_dim3A_25, %get3A_121] : memref<1x1000xf32, #tpu.memory_space<vmem>>[vector<16xi32>, vector<16xi32>], vector<16xf32>,
          %swap3A = arith.constant 0 : i32
          %swap3A_137 = arith.index_cast %swap3A : i32 to index
          %swap3A_138 = arith.index_cast %add3A_76 : i32 to index
          %swap3A_139 = tpu.vector_load %arg10[%swap3A_137, %swap3A_138] {strides = array<i32>} : memref<1x16384xf32, #tpu.memory_space<vmem>>, vector<16xf32>,
          tpu.vector_store %arg10[%swap3A_137, %swap3A_138], %gather3A {strides = array<i32>} : memref<1x16384xf32, #tpu.memory_space<vmem>>, vector<16xf32>,
          %swap3A_140 = arith.constant 0 : i32
          %swap3A_141 = arith.index_cast %swap3A_140 : i32 to index
          %swap3A_142 = arith.index_cast %add3A_78 : i32 to index
          %swap3A_143 = tpu.vector_load %arg10[%swap3A_141, %swap3A_142] {strides = array<i32>} : memref<1x16384xf32, #tpu.memory_space<vmem>>, vector<16xf32>,
          tpu.vector_store %arg10[%swap3A_141, %swap3A_142], %gather3A_122 {strides = array<i32>} : memref<1x16384xf32, #tpu.memory_space<vmem>>, vector<16xf32>,
          %swap3A_144 = arith.constant 0 : i32
          %swap3A_145 = arith.index_cast %swap3A_144 : i32 to index
          %swap3A_146 = arith.index_cast %add3A_80 : i32 to index
          %swap3A_147 = tpu.vector_load %arg10[%swap3A_145, %swap3A_146] {strides = array<i32>} : memref<1x16384xf32, #tpu.memory_space<vmem>>, vector<16xf32>,
          tpu.vector_store %arg10[%swap3A_145, %swap3A_146], %gather3A_123 {strides = array<i32>} : memref<1x16384xf32, #tpu.memory_space<vmem>>, vector<16xf32>,
          %swap3A_148 = arith.constant 0 : i32
          %swap3A_149 = arith.index_cast %swap3A_148 : i32 to index
          %swap3A_150 = arith.index_cast %add3A_82 : i32 to index
          %swap3A_151 = tpu.vector_load %arg10[%swap3A_149, %swap3A_150] {strides = array<i32>} : memref<1x16384xf32, #tpu.memory_space<vmem>>, vector<16xf32>,
          tpu.vector_store %arg10[%swap3A_149, %swap3A_150], %gather3A_124 {strides = array<i32>} : memref<1x16384xf32, #tpu.memory_space<vmem>>, vector<16xf32>,
          %swap3A_152 = arith.constant 0 : i32
          %swap3A_153 = arith.index_cast %swap3A_152 : i32 to index
          %swap3A_154 = arith.index_cast %add3A_84 : i32 to index
          %swap3A_155 = tpu.vector_load %arg10[%swap3A_153, %swap3A_154] {strides = array<i32>} : memref<1x16384xf32, #tpu.memory_space<vmem>>, vector<16xf32>,
          tpu.vector_store %arg10[%swap3A_153, %swap3A_154], %gather3A_125 {strides = array<i32>} : memref<1x16384xf32, #tpu.memory_space<vmem>>, vector<16xf32>,
          %swap3A_156 = arith.constant 0 : i32
          %swap3A_157 = arith.index_cast %swap3A_156 : i32 to index
          %swap3A_158 = arith.index_cast %add3A_86 : i32 to index
          %swap3A_159 = tpu.vector_load %arg10[%swap3A_157, %swap3A_158] {strides = array<i32>} : memref<1x16384xf32, #tpu.memory_space<vmem>>, vector<16xf32>,
          tpu.vector_store %arg10[%swap3A_157, %swap3A_158], %gather3A_126 {strides = array<i32>} : memref<1x16384xf32, #tpu.memory_space<vmem>>, vector<16xf32>,
          %swap3A_160 = arith.constant 0 : i32
          %swap3A_161 = arith.index_cast %swap3A_160 : i32 to index
          %swap3A_162 = arith.index_cast %add3A_88 : i32 to index
          %swap3A_163 = tpu.vector_load %arg10[%swap3A_161, %swap3A_162] {strides = array<i32>} : memref<1x16384xf32, #tpu.memory_space<vmem>>, vector<16xf32>,
          tpu.vector_store %arg10[%swap3A_161, %swap3A_162], %gather3A_127 {strides = array<i32>} : memref<1x16384xf32, #tpu.memory_space<vmem>>, vector<16xf32>,
          %swap3A_164 = arith.constant 0 : i32
          %swap3A_165 = arith.index_cast %swap3A_164 : i32 to index
          %swap3A_166 = arith.index_cast %add3A_90 : i32 to index
          %swap3A_167 = tpu.vector_load %arg10[%swap3A_165, %swap3A_166] {strides = array<i32>} : memref<1x16384xf32, #tpu.memory_space<vmem>>, vector<16xf32>,
          tpu.vector_store %arg10[%swap3A_165, %swap3A_166], %gather3A_128 {strides = array<i32>} : memref<1x16384xf32, #tpu.memory_space<vmem>>, vector<16xf32>,
          %swap3A_168 = arith.constant 0 : i32
          %swap3A_169 = arith.index_cast %swap3A_168 : i32 to index
          %swap3A_170 = arith.index_cast %add3A_76 : i32 to index
          %swap3A_171 = tpu.vector_load %arg11[%swap3A_169, %swap3A_170] {strides = array<i32>} : memref<1x16384xf32, #tpu.memory_space<vmem>>, vector<16xf32>,
          tpu.vector_store %arg11[%swap3A_169, %swap3A_170], %gather3A_129 {strides = array<i32>} : memref<1x16384xf32, #tpu.memory_space<vmem>>, vector<16xf32>,
          %swap3A_172 = arith.constant 0 : i32
          %swap3A_173 = arith.index_cast %swap3A_172 : i32 to index
          %swap3A_174 = arith.index_cast %add3A_78 : i32 to index
          %swap3A_175 = tpu.vector_load %arg11[%swap3A_173, %swap3A_174] {strides = array<i32>} : memref<1x16384xf32, #tpu.memory_space<vmem>>, vector<16xf32>,
          tpu.vector_store %arg11[%swap3A_173, %swap3A_174], %gather3A_130 {strides = array<i32>} : memref<1x16384xf32, #tpu.memory_space<vmem>>, vector<16xf32>,
          %swap3A_176 = arith.constant 0 : i32
          %swap3A_177 = arith.index_cast %swap3A_176 : i32 to index
          %swap3A_178 = arith.index_cast %add3A_80 : i32 to index
          %swap3A_179 = tpu.vector_load %arg11[%swap3A_177, %swap3A_178] {strides = array<i32>} : memref<1x16384xf32, #tpu.memory_space<vmem>>, vector<16xf32>,
          tpu.vector_store %arg11[%swap3A_177, %swap3A_178], %gather3A_131 {strides = array<i32>} : memref<1x16384xf32, #tpu.memory_space<vmem>>, vector<16xf32>,
          %swap3A_180 = arith.constant 0 : i32
          %swap3A_181 = arith.index_cast %swap3A_180 : i32 to index
          %swap3A_182 = arith.index_cast %add3A_82 : i32 to index
          %swap3A_183 = tpu.vector_load %arg11[%swap3A_181, %swap3A_182] {strides = array<i32>} : memref<1x16384xf32, #tpu.memory_space<vmem>>, vector<16xf32>,
          tpu.vector_store %arg11[%swap3A_181, %swap3A_182], %gather3A_132 {strides = array<i32>} : memref<1x16384xf32, #tpu.memory_space<vmem>>, vector<16xf32>,
          %swap3A_184 = arith.constant 0 : i32
          %swap3A_185 = arith.index_cast %swap3A_184 : i32 to index
          %swap3A_186 = arith.index_cast %add3A_84 : i32 to index
          %swap3A_187 = tpu.vector_load %arg11[%swap3A_185, %swap3A_186] {strides = array<i32>} : memref<1x16384xf32, #tpu.memory_space<vmem>>, vector<16xf32>,
          tpu.vector_store %arg11[%swap3A_185, %swap3A_186], %gather3A_133 {strides = array<i32>} : memref<1x16384xf32, #tpu.memory_space<vmem>>, vector<16xf32>,
          %swap3A_188 = arith.constant 0 : i32
          %swap3A_189 = arith.index_cast %swap3A_188 : i32 to index
          %swap3A_190 = arith.index_cast %add3A_86 : i32 to index
          %swap3A_191 = tpu.vector_load %arg11[%swap3A_189, %swap3A_190] {strides = array<i32>} : memref<1x16384xf32, #tpu.memory_space<vmem>>, vector<16xf32>,
          tpu.vector_store %arg11[%swap3A_189, %swap3A_190], %gather3A_134 {strides = array<i32>} : memref<1x16384xf32, #tpu.memory_space<vmem>>, vector<16xf32>,
          %swap3A_192 = arith.constant 0 : i32
          %swap3A_193 = arith.index_cast %swap3A_192 : i32 to index
          %swap3A_194 = arith.index_cast %add3A_88 : i32 to index
          %swap3A_195 = tpu.vector_load %arg11[%swap3A_193, %swap3A_194] {strides = array<i32>} : memref<1x16384xf32, #tpu.memory_space<vmem>>, vector<16xf32>,
          tpu.vector_store %arg11[%swap3A_193, %swap3A_194], %gather3A_135 {strides = array<i32>} : memref<1x16384xf32, #tpu.memory_space<vmem>>, vector<16xf32>,
          %swap3A_196 = arith.constant 0 : i32
          %swap3A_197 = arith.index_cast %swap3A_196 : i32 to index
          %swap3A_198 = arith.index_cast %add3A_90 : i32 to index
          %swap3A_199 = tpu.vector_load %arg11[%swap3A_197, %swap3A_198] {strides = array<i32>} : memref<1x16384xf32, #tpu.memory_space<vmem>>, vector<16xf32>,
          tpu.vector_store %arg11[%swap3A_197, %swap3A_198], %gather3A_136 {strides = array<i32>} : memref<1x16384xf32, #tpu.memory_space<vmem>>, vector<16xf32>,
        }
        %scan3A_49 = arith.constant 16 : i32
        %mul3A_50 = arith.constant 2048 : i32
        %mul3A_51 = arith.muli %add3A_42, %mul3A_50 : i32
        %dma_start3A_52 = arith.constant 0 : i32
        %dma_start3A_53 = tpu.memref_slice %arg10[%dma_start3A_52, %mul3A_51] : memref<1x16384xf32, #tpu.memory_space<vmem>> -> memref<1x2048xf32, #tpu.memory_space<vmem>>
        %dma_start3A_54 = tpu.memref_slice %arg5[%add3A, %mul3A_51] : memref<26x16384xf32, #tpu.memory_space<hbm>> -> memref<1x2048xf32, #tpu.memory_space<hbm>>
        %dma_start3A_55 = tpu.memref_slice %arg5[%add3A, %mul3A_51] : memref<26x16384xf32, #tpu.memory_space<hbm>> -> memref<1x2048xf32, #tpu.memory_space<hbm>>
        %dma_start3A_56 = arith.constant 0 : i32
        %dma_start3A_57 = tpu.memref_slice %arg10[%dma_start3A_56, %mul3A_51] : memref<1x16384xf32, #tpu.memory_space<vmem>> -> memref<1x2048xf32, #tpu.memory_space<vmem>>
        tpu.enqueue_dma source(%dma_start3A_57 : memref<1x2048xf32, #tpu.memory_space<vmem>>) target(%dma_start3A_55 : memref<1x2048xf32, #tpu.memory_space<hbm>>) target_semaphore(%arg12 : memref<!tpu.dma_semaphore, #tpu.memory_space<semaphore_mem>>)
        %dma_start3A_58 = arith.constant 0 : i32
        %dma_start3A_59 = tpu.memref_slice %arg11[%dma_start3A_58, %mul3A_51] : memref<1x16384xf32, #tpu.memory_space<vmem>> -> memref<1x2048xf32, #tpu.memory_space<vmem>>
        %dma_start3A_60 = tpu.memref_slice %arg6[%add3A, %mul3A_51] : memref<26x16384xf32, #tpu.memory_space<hbm>> -> memref<1x2048xf32, #tpu.memory_space<hbm>>
        %dma_start3A_61 = tpu.memref_slice %arg6[%add3A, %mul3A_51] : memref<26x16384xf32, #tpu.memory_space<hbm>> -> memref<1x2048xf32, #tpu.memory_space<hbm>>
        %dma_start3A_62 = arith.constant 0 : i32
        %dma_start3A_63 = tpu.memref_slice %arg11[%dma_start3A_62, %mul3A_51] : memref<1x16384xf32, #tpu.memory_space<vmem>> -> memref<1x2048xf32, #tpu.memory_space<vmem>>
        tpu.enqueue_dma source(%dma_start3A_63 : memref<1x2048xf32, #tpu.memory_space<vmem>>) target(%dma_start3A_61 : memref<1x2048xf32, #tpu.memory_space<hbm>>) target_semaphore(%arg13 : memref<!tpu.dma_semaphore, #tpu.memory_space<semaphore_mem>>)
      }
      %scan3A_29 = arith.constant 8 : i32
      %dma_wait3A_30 = arith.constant 0 : i32
      %dma_wait3A_31 = tpu.memref_slice %arg5[%add3A, %dma_wait3A_30] : memref<26x16384xf32, #tpu.memory_space<hbm>> -> memref<1x16384xf32, #tpu.memory_space<hbm>>
      %dma_wait3A_32 = arith.constant 0 : i32
      %dma_wait3A_33 = tpu.memref_slice %arg5[%add3A, %dma_wait3A_32] : memref<26x16384xf32, #tpu.memory_space<hbm>> -> memref<1x16384xf32, #tpu.memory_space<hbm>>
      tpu.wait_dma2 semaphore(%arg12 : memref<!tpu.dma_semaphore, #tpu.memory_space<semaphore_mem>>) src(%arg10 : memref<1x16384xf32, #tpu.memory_space<vmem>>) dst(%dma_wait3A_33 : memref<1x16384xf32, #tpu.memory_space<hbm>>)
      %dma_wait3A_34 = arith.constant 0 : i32
      %dma_wait3A_35 = tpu.memref_slice %arg6[%add3A, %dma_wait3A_34] : memref<26x16384xf32, #tpu.memory_space<hbm>> -> memref<1x16384xf32, #tpu.memory_space<hbm>>
      %dma_wait3A_36 = arith.constant 0 : i32
      %dma_wait3A_37 = tpu.memref_slice %arg6[%add3A, %dma_wait3A_36] : memref<26x16384xf32, #tpu.memory_space<hbm>> -> memref<1x16384xf32, #tpu.memory_space<hbm>>
      tpu.wait_dma2 semaphore(%arg13 : memref<!tpu.dma_semaphore, #tpu.memory_space<semaphore_mem>>) src(%arg11 : memref<1x16384xf32, #tpu.memory_space<vmem>>) dst(%dma_wait3A_37 : memref<1x16384xf32, #tpu.memory_space<hbm>>)
    } else {
    }
    return
  }
}

</mosaic_0001>

<sc_bundles>
// kernel: kernel.3.cloned.1.call-start
scs
__scs_entry_jumppad:
0x0: {  	(pc) =	sbr.rel $0x88, $3  }
0x1: {  	(tag) =	ssettag $0x0;
	lr =	simm.s32 $0x1  }
0x2: {  	[smem:$0x3F9E] =	sst lr;
	_ =	strace $0xD0000000  }
0x3: {  	_ = 	snop  }
0x4: {  	_ = 	snop  }
0x5: {  	_ = 	snop  }
0x6: {  	_ = 	snop  }
0x7: {  	_ = 	snop  }
__scs_overlays_trampoline_lowered:
0x8: {  	[smem:$0x3FAD] =	sst s0  }
0x9: {  	[smem:$0x3FAE] =	sst s1  }
0xa: {  	[smem:$0x3FAF] =	sst s2  }
0xb: {  	[smem:$0x3FB0] =	sst s3  }
0xc: {  	[smem:$0x3FB1] =	sst s4  }
0xd: {  	[smem:$0x3FB2] =	sst s5  }
0xe: {  	[smem:$0x3FB3] =	sst s6  }
0xf: {  	[smem:$0x3FB4] =	sst s7  }
0x10: {  	[smem:$0x3FB5] =	sst s8  }
0x11: {  	[smem:$0x3FB6] =	sst s9;
	s0 =	simm.s32 @!p0 $0x0  }
0x12: {  	s1 =	sld [smem:$0x3F9C];
	s0 =	simm.s32 @p0 $0x1  }
0x13: {  	[smem:$0x3FB7] =	sst s0;
	s0 =	simm.s32 @!p1 $0x0  }
0x14: {  	s2 =	sld [smem:$0x3F9B];
	s0 =	simm.s32 @p1 $0x1  }
0x15: {  	[smem:$0x3FB8] =	sst s0;
	s0 =	simm.s32 @!p2 $0x0  }
0x16: {  	s3 =	sld [smem:$0x3FDB];
	s0 =	simm.s32 @p2 $0x1  }
0x17: {  	s4 =	simm.s32 $0x1BF5;
	[smem:$0x3FBA] =	sst s0  }
0x18: {  	s0 =	sld [smem:$0x3F9D];
	_ =	swait.ge [sflag:s4], $0x0  }
0x19: {  	s7 =	sld [smem:$0x3F9E]  }
0x1a: {  	s8 =	sadd.s32 $0xFFFFE003, lr  }
0x1b: {  	s9 =	sadd.s32 $0xFFFFFEF7, lr;
	s5 =	simm.s32 $0xFFFFFFFF;
	p2 =	slt.u32 s8, $0xFFFFF086  }
0x1c: {  	p1 =	slt.u32 s9, $0xF7A;
	s5 =	simm.s32 @!p2 $0x0  }
0x1d: {  	s5 =	simm.s32 @p1 $0x1;
	p0 =	seq.s32 s7, s2  }
0x1e: {  	s7 =	smul.u32 @!p0 $0xF7A, s2;
	p2 =	seq.s32 @!p0 s5, $0x0  }
0x1f: {  	s9 =	smul.u32 $0xF7A, s1;
	s8 =	simm.s32 @!p0 $0x1BF5;
	p2 =	por !p2, p0  }
0x20: {  	[sflag:s8] =	ssyncset.s32 @!p0 $0xFFFFF086;
	s6 =	sadd.s32 @!p0 s3, s7;
	s7 =	simm.s32 @!p0 $0x108  }
0x21: {  	s3 =	sadd.s32 s3, s9;
	s6 =	sadd.s32 @!p0 $0x88, s6;
	s7 =	simm.s32 @p2 $0x1082  }
0x22: {  	[simem:s7], [sflag:s8] =	dma.local @!p0 [hbm:s6], $0xF7A  }
0x23: {  	s9 =	sor.u32 $0xD0000000, s2;
	s6 =	simm.s32 $0x108;
	_ =	swait.ge @!p0 [sflag:s8], $0x0  }
0x24: {  	s3 =	sadd.s32 $0x88, s3;
	s6 =	simm.s32 @!p1 $0x1082;
	[sflag:s4] =	ssyncset.s32 $0xFFFFF086  }
0x25: {  	[simem:s6], [sflag:s4] =	dma.local [hbm:s3], $0xF7A  }
0x26: {  	[smem:$0x3F9E] =	sst s1;
	(tag) =	ssettag s2;
	_ =	strace s9  }
0x27: {  	s1 =	sld [smem:$0x3FAE]  }
0x28: {  	s2 =	sld [smem:$0x3FAF]  }
0x29: {  	s4 =	sld [smem:$0x3FB1]  }
0x2a: {  	p0 =	seq.s32 s5, $0x0;
	s5 =	sld [smem:$0x3FB2]  }
0x2b: {  	s6 =	sld [smem:$0x3FB3]  }
0x2c: {  	s7 =	sld [smem:$0x3FB4]  }
0x2d: {  	s3 =	simm.s32 $0x108;
	s8 =	sld [smem:$0x3FB5]  }
0x2e: {  	s3 =	simm.s32 @!p0 $0x1082;
	s9 =	sld [smem:$0x3FB6]  }
0x2f: {  	lr =	sadd.s32 s0, s3;
	s0 =	sld [smem:$0x3FAD]  }
0x30: {  	s3 =	sld [smem:$0x3FB0]  }
0x31: {  	[smem:$0x3FB9] =	sst s10  }
0x32: {  	s10 =	sld [smem:$0x3FB7];
	_ =	sdelay $0x3  }
0x33: {  	p0 =	seq.s32 s10, $0x1;
	s10 =	sld [smem:$0x3FB9];
	_ =	sdelay $0x3  }
0x34: {  	[smem:$0x3FB9] =	sst s10  }
0x35: {  	s10 =	sld [smem:$0x3FB8];
	_ =	sdelay $0x3  }
0x36: {  	p1 =	seq.s32 s10, $0x1;
	s10 =	sld [smem:$0x3FB9];
	_ =	sdelay $0x3  }
0x37: {  	[smem:$0x3FB9] =	sst s10  }
0x38: {  	s10 =	sld [smem:$0x3FBA]  }
0x39: {  	_ = 	snop;
	(pc) =	sbr.ind lr, $3  }
0x3a: {  	_ = 	snop  }
0x3b: {  	_ = 	snop  }
0x3c: {  	p2 =	seq.s32 s10, $0x1;
	s10 =	sld [smem:$0x3FB9]  }
0x3d: {  	_ =	shalt  }
0x3e: {  	_ =	shalt  }
0x3f: {  	_ =	shalt  }
0x40: {  	_ =	shalt  }
0x41: {  	_ =	shalt  }
0x42: {  	_ =	shalt  }
0x43: {  	_ =	shalt  }
0x44: {  	_ =	shalt  }
0x45: {  	_ =	shalt  }
0x46: {  	_ =	shalt  }
0x47: {  	_ =	shalt  }
0x48: {  	_ =	shalt  }
0x49: {  	_ =	shalt  }
0x4a: {  	_ =	shalt  }
0x4b: {  	_ =	shalt  }
0x4c: {  	_ =	shalt  }
0x4d: {  	_ =	shalt  }
0x4e: {  	_ =	shalt  }
0x4f: {  	_ =	shalt  }
0x50: {  	_ =	shalt  }
0x51: {  	_ =	shalt  }
0x52: {  	_ =	shalt  }
0x53: {  	_ =	shalt  }
0x54: {  	_ =	shalt  }
0x55: {  	_ =	shalt  }
0x56: {  	_ =	shalt  }
0x57: {  	_ =	shalt  }
0x58: {  	_ =	shalt  }
0x59: {  	_ =	shalt  }
0x5a: {  	_ =	shalt  }
0x5b: {  	_ =	shalt  }
0x5c: {  	_ =	shalt  }
0x5d: {  	_ =	shalt  }
0x5e: {  	_ =	shalt  }
0x5f: {  	_ =	shalt  }
0x60: {  	_ =	shalt  }
0x61: {  	_ =	shalt  }
0x62: {  	_ =	shalt  }
0x63: {  	_ =	shalt  }
0x64: {  	_ =	shalt  }
0x65: {  	_ =	shalt  }
0x66: {  	_ =	shalt  }
0x67: {  	_ =	shalt  }
0x68: {  	_ =	shalt  }
0x69: {  	_ =	shalt  }
0x6a: {  	_ =	shalt  }
0x6b: {  	_ =	shalt  }
0x6c: {  	_ =	shalt  }
0x6d: {  	_ =	shalt  }
0x6e: {  	_ =	shalt  }
0x6f: {  	_ =	shalt  }
0x70: {  	_ =	shalt  }
0x71: {  	_ =	shalt  }
0x72: {  	_ =	shalt  }
0x73: {  	_ =	shalt  }
0x74: {  	_ =	shalt  }
0x75: {  	_ =	shalt  }
0x76: {  	_ =	shalt  }
0x77: {  	_ =	shalt  }
0x78: {  	_ =	shalt  }
0x79: {  	_ =	shalt  }
0x7a: {  	_ =	shalt  }
0x7b: {  	_ =	shalt  }
0x7c: {  	_ =	shalt  }
0x7d: {  	_ =	shalt  }
0x7e: {  	_ =	shalt  }
0x7f: {  	_ =	shalt  }
0x80: {  	_ =	shalt  }
0x81: {  	_ =	shalt  }
0x82: {  	_ =	shalt  }
0x83: {  	_ =	shalt  }
0x84: {  	_ =	shalt  }
0x85: {  	_ =	shalt  }
0x86: {  	_ =	shalt  }
0x87: {  	_ =	shalt  }
.Lfunc_end0:
.L_simem_size_0:
called_computation_lowered:
.L_overlay_start_0:
0x88: {  	s2 =	sld [smem:$0x3FD9]  }
0x89: {  	s3 =	sld [smem:$0x3FFE];
	_ =	sdelay $0x1  }
0x8a: {  	s1 =	srdreg.scid  }
0x8b: {  	s0 =	sand.u32 $0x1, s1  }
0x8c: {  	s15 =	sshll.u32 s0, $0xA;
	s2 =	sadd.s32 s3, s2  }
0x8d: {  	s2 =	sadd.s32 s2, s15  }
0x8e: {  	[smem:$0x3FC5] =	sst s2  }
0x8f: {  	_ = 	snop  }
0x90: {  	s2 =	sld [smem:$0x3FD0]  }
0x91: {  	s16 =	sld [smem:$0x3FC9]  }
0x92: {  	s4 =	sld [smem:$0x3FC8]  }
0x93: {  	s6 =	simm.s32 $0xA;
	s7 =	simm.s32 $0x10;
	s5 =	sld [smem:$0x3FC7]  }
0x94: {  	[smem:s7], [sflag:s6] =	dma.local [hbm:s2], $0x1  }
0x95: {  	_ =	swait.eq [sflag:s6], $0x1  }
0x96: {  	[sflag:s6] =	ssyncset.done $0x0  }
0x97: {  	s17 =	sld [smem:$0x10];
	[sflag:s6] =	ssyncadd.s32 $0xFFFFFFFF  }
0x98: {  	s18 =	sld [smem:$0x11];
	(tm) =	ssettm $0x1  }
0x99: {  	s19 =	sld [smem:$0x3FFB];
	_ =	sdelay $0x3  }
0x9a: {  	_ =	strace s19  }
0x9b: {  	s7 =	sld [smem:$0x3FFC];
	_ =	sdelay $0x3  }
0x9c: {  	_ =	strace s7  }
0x9d: {  	s7 =	sld [smem:$0x3FFD];
	_ =	sdelay $0x3  }
0x9e: {  	_ =	strace s7  }
0x9f: {  	_ =	strace $0x8FFFFFFF  }
0xa0: {  	s20 =	sld [smem:$0x3FDB];
	_ =	sdelay $0x1  }
0xa1: {  	s8 =	simm.s32 $_scs_section_size  }
0xa2: {  	s9 =	simm.s32 $_size__tile_overlayer_lowered;
	s10 =	simm.s32 $_tile_overlayer_lowered  }
0xa3: {  	s23 =	simm.s32 $0x1BFF;
	s22 =	sshll.u32 s10, $0x1;
	s7 =	sadd.s32 s8, s20  }
0xa4: {  	s11 =	simm.s32 $0x0;
	s21 =	sshll.u32 s9, $0x1;
	s9 =	sadd.s32 s22, s7  }
0xa5: {  	[timem:s11], [sflag:s23] =	dma.local [hbm:s9], s21  }
0xa6: {  	_ =	swait.ge [sflag:s23], s21  }
0xa7: {  	s8 =	ssub.s32 $0x0, s21;
	[sflag:s23] =	ssyncset.done $0x0  }
0xa8: {  	[sflag:s23] =	ssyncadd.s32 s8;
	_ =	sdelay $0x1  }
0xa9: {  	s24 =	simm.s32 $0x1B8B  }
0xaa: {  	_ =	swait.ge [sflag:s24], $0x1  }
0xab: {  	[sflag:s24] =	ssyncset.done $0x0  }
0xac: {  	s25 =	simm.s32 $0x1B8E;
	[sflag:s24] =	ssyncadd.s32 $0xFFFFFFFF  }
0xad: {  	s26 =	simm.s32 $execute0_lowered;
	[smem:$0x3FD2] =	sst s25  }
0xae: {  	s8 =	sshll.u32 s26, $0x1;
	_ =	strace $0x80000046;
	[dreg:$0x1] =	wrdreg $0xFFFFFFFF  }
0xaf: {  	s28 =	simm.s32 $_size_execute0_lowered;
	s7 =	sadd.s32 s7, s8;
	[dreg:$0x0] =	wrdreg $0x0  }
0xb0: {  	s8 =	sshll.u32 s28, $0x1;
	[dreg:$0x2] =	wrdreg s7  }
0xb1: {  	[dreg:$0x3] =	wrdreg s8  }
0xb2: {  	[dreg:$0x4] =	wrdreg $0xC0  }
0xb3: {  	_ =	task [dreg:s11], $0x5FFFF  }
0xb4: {  	[dreg:$0x1] =	wrdreg $0xFFFFFFFF  }
0xb5: {  	[dreg:$0x0] =	wrdreg $0x60  }
0xb6: {  	[dreg:$0x2] =	wrdreg s16  }
0xb7: {  	[dreg:$0x3] =	wrdreg s4  }
0xb8: {  	[dreg:$0x4] =	wrdreg s5  }
0xb9: {  	[dreg:$0x5] =	wrdreg s17  }
0xba: {  	[dreg:$0x6] =	wrdreg s18  }
0xbb: {  	[dreg:$0x7] =	wrdreg $0x9  }
0xbc: {  	_ =	task.clear_ibuf [dreg:s11], $0x8FFFF;
	_ =	strace $0x90000046  }
0xbd: {  	s29 =	simm.s32 $0x9;
	_ =	strace $0x80000048  }
0xbe: {  	_ =	swait.ge [sflag:s29], $0x1  }
0xbf: {  	[sflag:s29] =	ssyncadd.s32 $0xFFFFFFFF  }
0xc0: {  	_ =	strace $0x90000048  }
0xc1: {  	_ =	sfence  }
0xc2: {  	s30 =	sld [smem:$0x0];
	_ =	sdelay $0x2  }
0xc3: {  	s31 =	sshll.u32 s1, $0xD;
	s1 =	sshrl.u32 s1, $0x2  }
0xc4: {  	s3 =	sand.u32 $0x4000, s31;
	s1 =	sadd.s32 s1, s30  }
0xc5: {  	s0 =	sor.u32 s3, s0;
	s1 =	sshll.u32 s1, $0x11  }
0xc6: {  	s0 =	sor.u32 s1, s0  }
0xc7: {  	s0 =	sadd.s32 $0x8F2B, s0  }
0xc8: {  	[sflag:s0] =	ssyncadd.remote.s32 $0x1  }
0xc9: {  	_ =	sfence.sel $0xFFFF  }
0xca: {  	[dreg:$0x0] =	wrdreg $0xFFFFFFFF;
	(pc) =	sbr.abs _section_cstart, $3  }
0xcb: {  	[dreg:$0x1] =	wrdreg $0xFFFFFFFF  }
0xcc: {  	_ =	task.clear_ibuf [dreg:s11], $0x2FFFF;
	_ =	strace $0x9FFFFFFF  }
0xcd: {  	(tm) =	ssettm $0x7FFFFFFF  }
tec
execute0_lowered:
.L_overlay_start_1:
0x0: {  	(tag) =	ssettag $0x1  }
0x1: {  	s8 =	rddreg [dreg:$0x0];
	s1 =	stileid.u32  }
0x2: {  	s7 =	rddreg [dreg:$0x1];
	p0 =	sgt.u32 s1, $0xC  }
.Ltmp0:
0x3: {  	s6 =	rddreg [dreg:$0x2];
	(pc) =	sbr.rel @p0 .LBB2_7-.Ltmp0, $4  }
0x4: {  	s2 =	rddreg [dreg:$0x3]  }
0x5: {  	s3 =	rddreg [dreg:$0x4];
	s4 =	simm.s32 $0x0  }
0x6: {  	[smem:$0x7FF] =	sst s4  }
0x7: {  	s0 =	rddreg [dreg:$0x5];
	_ =	strace $0x80000047  }
0x8: {  	s5 =	srdreg.scid;
	s9 =	sshll.u32 s1, $0x8;
	s10 =	sshrl.u32 s1, $0x2  }
0x9: {  	s14 =	simm.s32 $0x2;
	s15 =	simm.s32 $0x3;
	s16 =	simm.s32 $0x1  }
0xa: {  	s5 =	sand.u32 $0x1, s5;
	s9 =	sand.u32 $0x300, s9;
	s28 =	sshll.u32 s10, $0xD  }
0xb: {  	s10 =	sshll.u32 s10, $0x11;
	s11 =	sshll.u32 s5, $0x7;
	s26 =	ssub.s32 $0x2, s5  }
0xc: {  	s9 =	sor.u32 s11, s9;
	s12 =	sshrl.u32 s26, $0x1;
	s11 =	simm.s32 $0x400  }
0xd: {  	s13 =	sor.u32 s28, s9;
	s5 =	sor.u32 s9, s10;
	s29 =	ssub.s32 s26, s12  }
0xe: {  	s10 =	simm.s32 $0x80;
	s12 =	simm.s32 $0x4000;
	s30 =	sshrl.u32 s13, $0x3  }
0xf: {  	s31 =	sshrl.u32 s5, $0x3;
	s9 =	smax.u32 s29, $0x1;
	s13 =	simm.s32 $0x4400  }
0x10: {  	s6 =	sadd.s32 s6, s30;
	s7 =	sadd.s32 s7, s30;
	s8 =	sadd.s32 s8, s31  }
.LBB2_2:
0x11: {  	s17 =	simm.s32 $0x0  }
0x12: {  	[tilespmem:s17], [sflag:$0x1] =	stream.strided.gather [hbm4b:s8+s10], $0x4000, s11, s10, $0x38;
	[tilespmem:$0xC800] =	vst v63  }
0x13: {  	_ = 	snop  }
0x14: {  	[tilespmem:s12], [sflag:$0x2] =	stream.strided.gather [hbm4b:s7+s10], $0x400, s11, s10, $0x38;
	[tilespmem:$0xC800] =	vst v63  }
0x15: {  	_ = 	snop  }
0x16: {  	[tilespmem:s13], [sflag:$0x3] =	stream.strided.gather [hbm4b:s6+s10], $0x400, s11, s10, $0x38;
	[tilespmem:$0xC800] =	vst v63  }
0x17: {  	_ =	swait.ge [sflag:s14], $0x400  }
0x18: {  	[sflag:s14] =	ssyncset.done $0x0  }
0x19: {  	[sflag:s14] =	ssyncadd.s32 $0xFFFFFC00  }
0x1a: {  	_ =	swait.ge [sflag:s15], $0x400  }
0x1b: {  	[sflag:s15] =	ssyncset.done $0x0  }
0x1c: {  	[sflag:s15] =	ssyncadd.s32 $0xFFFFFC00  }
0x1d: {  	_ =	swait.ge [sflag:s16], $0x4000  }
0x1e: {  	s18 =	simm.s32 $0x40;
	[sflag:s16] =	ssyncset.done $0x0  }
0x1f: {  	s19 =	simm.s32 $0x4870;
	s20 =	simm.s32 $0x8870;
	[sflag:s16] =	ssyncadd.s32 $0xFFFFC000  }
.LBB2_3:
0x20: {  	v0 =	vmov s18;
	_ =	sdelay $0x3  }
0x21: {  	s21 =	simm.s32 $0x0  }
0x22: {  	v1 =	vld.idx.msk [tilespmem:v0+s21+$0xFFFFFFC0 ss:$0x1], $0xffff  }
0x23: {  	v2 =	vld.idx.msk [tilespmem:v0+s21+$0xFFFFFFD0 ss:$0x1], $0xffff  }
0x24: {  	v3 =	vld.idx.msk [tilespmem:v0+s21+$0xFFFFFFE0 ss:$0x1], $0xffff  }
0x25: {  	v7 =	vld.idx.msk [tilespmem:v0+s21+$0xFFFFFFF0 ss:$0x1], $0xffff  }
0x26: {  	v10 =	vld.idx.msk [tilespmem:v0+s21+$0x0 ss:$0x1], $0xffff  }
0x27: {  	v8 =	vld.idx.msk [tilespmem:v0+s21+$0x30 ss:$0x1], $0xffff  }
0x28: {  	v11 =	vld.idx.msk [tilespmem:v0+s21+$0x20 ss:$0x1], $0xffff  }
0x29: {  	v13 =	vld.idx.msk [tilespmem:v0+s21+$0x10 ss:$0x1], $0xffff  }
0x2a: {  	v14 =	vld.idx.msk [tilespmem:v1+s12+$0x0], $0xffff  }
0x2b: {  	v4 =	vld.idx.msk [tilespmem:v1+s13+$0x0], $0xffff  }
0x2c: {  	v15 =	vld.idx.msk [tilespmem:v2+s12+$0x0], $0xffff  }
0x2d: {  	v5 =	vld.idx.msk [tilespmem:v2+s13+$0x0], $0xffff  }
0x2e: {  	v2 =	vld.idx.msk [tilespmem:v3+s12+$0x0], $0xffff  }
0x2f: {  	v6 =	vld.idx.msk [tilespmem:v3+s13+$0x0], $0xffff  }
0x30: {  	v3 =	vld.idx.msk [tilespmem:v8+s13+$0x0], $0xffff  }
0x31: {  	v9 =	vld.idx.msk [tilespmem:v8+s12+$0x0], $0xffff  }
0x32: {  	v16 =	vld.idx.msk [tilespmem:v7+s12+$0x0], $0xffff  }
0x33: {  	v8 =	vld.idx.msk [tilespmem:v7+s13+$0x0], $0xffff  }
0x34: {  	v7 =	vld.idx.msk [tilespmem:v11+s13+$0x0], $0xffff;
	v1 =	vmov s19  }
0x35: {  	v12 =	vld.idx.msk [tilespmem:v11+s12+$0x0], $0xffff  }
0x36: {  	v17 =	vld.idx.msk [tilespmem:v10+s12+$0x0], $0xffff  }
0x37: {  	v11 =	vld.idx.msk [tilespmem:v10+s13+$0x0], $0xffff  }
0x38: {  	v10 =	vld.idx.msk [tilespmem:v13+s13+$0x0], $0xffff  }
0x39: {  	v13 =	vld.idx.msk [tilespmem:v13+s12+$0x0], $0xffff;
	[tilespmem:v1+s21+$0xFFFFFF90 ss:$0x1] =	vst.idx.msk $0xffff, v14  }
0x3a: {  	[tilespmem:v1+s21+$0xFFFFFFA0 ss:$0x1] =	vst.idx.msk $0xffff, v15  }
0x3b: {  	[tilespmem:v1+s21+$0xFFFFFFB0 ss:$0x1] =	vst.idx.msk $0xffff, v2  }
0x3c: {  	v2 =	vmov s20;
	[tilespmem:v1+s21+$0xFFFFFFC0 ss:$0x1] =	vst.idx.msk $0xffff, v16  }
0x3d: {  	s22 =	sshll.u32 s17, $0xB;
	s23 =	simm.s32 $0x200;
	[tilespmem:v1+s21+$0xFFFFFFD0 ss:$0x1] =	vst.idx.msk $0xffff, v17  }
.LBB2_4:
0x3e: {  	p0 =	sne.s32 s23, $0x1E00;
	[tilespmem:v1+s21+$0xFFFFFFE0 ss:$0x1] =	vst.idx.msk $0xffff, v13;
	s24 =	smov.u32 s23;
	s23 =	sadd.s32 $0x200, s23  }
0x3f: {  	[tilespmem:v1+s21+$0xFFFFFFF0 ss:$0x1] =	vst.idx.msk $0xffff, v12  }
0x40: {  	[tilespmem:v1+s21+$0x0 ss:$0x1] =	vst.idx.msk $0xffff, v9  }
0x41: {  	[tilespmem:v2+s21+$0xFFFFFF90 ss:$0x1] =	vst.idx.msk $0xffff, v4  }
0x42: {  	[tilespmem:v2+s21+$0xFFFFFFA0 ss:$0x1] =	vst.idx.msk $0xffff, v5  }
0x43: {  	[tilespmem:v2+s21+$0xFFFFFFB0 ss:$0x1] =	vst.idx.msk $0xffff, v6  }
0x44: {  	[tilespmem:v2+s21+$0xFFFFFFC0 ss:$0x1] =	vst.idx.msk $0xffff, v8  }
0x45: {  	[tilespmem:v2+s21+$0xFFFFFFD0 ss:$0x1] =	vst.idx.msk $0xffff, v11  }
0x46: {  	[tilespmem:v2+s21+$0xFFFFFFE0 ss:$0x1] =	vst.idx.msk $0xffff, v10  }
0x47: {  	[tilespmem:v2+s21+$0xFFFFFFF0 ss:$0x1] =	vst.idx.msk $0xffff, v7  }
0x48: {  	[tilespmem:v2+s21+$0x0 ss:$0x1] =	vst.idx.msk $0xffff, v3;
	s21 =	sshra.s32 s24, $0x2  }
0x49: {  	v3 =	vld.idx.msk [tilespmem:v0+s21+$0xFFFFFFC0 ss:$0x1], $0xffff  }
0x4a: {  	v5 =	vld.idx.msk [tilespmem:v0+s21+$0xFFFFFFD0 ss:$0x1], $0xffff  }
0x4b: {  	v6 =	vld.idx.msk [tilespmem:v0+s21+$0xFFFFFFE0 ss:$0x1], $0xffff  }
0x4c: {  	v7 =	vld.idx.msk [tilespmem:v0+s21+$0xFFFFFFF0 ss:$0x1], $0xffff  }
0x4d: {  	v10 =	vld.idx.msk [tilespmem:v0+s21+$0x0 ss:$0x1], $0xffff  }
0x4e: {  	v8 =	vld.idx.msk [tilespmem:v0+s21+$0x30 ss:$0x1], $0xffff  }
0x4f: {  	v11 =	vld.idx.msk [tilespmem:v0+s21+$0x20 ss:$0x1], $0xffff  }
0x50: {  	v13 =	vld.idx.msk [tilespmem:v0+s21+$0x10 ss:$0x1], $0xffff  }
0x51: {  	v14 =	vld.idx.msk [tilespmem:v3+s12+$0x0], $0xffff  }
0x52: {  	v4 =	vld.idx.msk [tilespmem:v3+s13+$0x0], $0xffff  }
0x53: {  	v15 =	vld.idx.msk [tilespmem:v5+s12+$0x0], $0xffff  }
0x54: {  	v5 =	vld.idx.msk [tilespmem:v5+s13+$0x0], $0xffff  }
0x55: {  	v16 =	vld.idx.msk [tilespmem:v6+s12+$0x0], $0xffff  }
0x56: {  	v6 =	vld.idx.msk [tilespmem:v6+s13+$0x0], $0xffff  }
0x57: {  	v3 =	vld.idx.msk [tilespmem:v8+s13+$0x0], $0xffff  }
0x58: {  	v9 =	vld.idx.msk [tilespmem:v8+s12+$0x0], $0xffff  }
0x59: {  	v17 =	vld.idx.msk [tilespmem:v7+s12+$0x0], $0xffff  }
0x5a: {  	v8 =	vld.idx.msk [tilespmem:v7+s13+$0x0], $0xffff  }
0x5b: {  	v7 =	vld.idx.msk [tilespmem:v11+s13+$0x0], $0xffff  }
0x5c: {  	v12 =	vld.idx.msk [tilespmem:v11+s12+$0x0], $0xffff  }
0x5d: {  	v18 =	vld.idx.msk [tilespmem:v10+s12+$0x0], $0xffff  }
0x5e: {  	v11 =	vld.idx.msk [tilespmem:v10+s13+$0x0], $0xffff  }
0x5f: {  	v10 =	vld.idx.msk [tilespmem:v13+s13+$0x0], $0xffff  }
0x60: {  	v13 =	vld.idx.msk [tilespmem:v13+s12+$0x0], $0xffff  }
.Ltmp1:
0x61: {  	[tilespmem:v1+s21+$0xFFFFFF90 ss:$0x1] =	vst.idx.msk $0xffff, v14;
	(pc) =	sbr.rel @p0 .LBB2_4-.Ltmp1, $4  }
0x62: {  	[tilespmem:v1+s21+$0xFFFFFFA0 ss:$0x1] =	vst.idx.msk $0xffff, v15  }
0x63: {  	[tilespmem:v1+s21+$0xFFFFFFB0 ss:$0x1] =	vst.idx.msk $0xffff, v16  }
0x64: {  	[tilespmem:v1+s21+$0xFFFFFFC0 ss:$0x1] =	vst.idx.msk $0xffff, v17  }
0x65: {  	[tilespmem:v1+s21+$0xFFFFFFD0 ss:$0x1] =	vst.idx.msk $0xffff, v18  }
0x66: {  	_ =	sdelay $0x3  }
0x67: {  	[tilespmem:v1+s21+$0xFFFFFFE0 ss:$0x1] =	vst.idx.msk $0xffff, v13  }
0x68: {  	[tilespmem:v1+s21+$0xFFFFFFF0 ss:$0x1] =	vst.idx.msk $0xffff, v12  }
0x69: {  	[tilespmem:v1+s21+$0x0 ss:$0x1] =	vst.idx.msk $0xffff, v9  }
0x6a: {  	[tilespmem:v2+s21+$0xFFFFFF90 ss:$0x1] =	vst.idx.msk $0xffff, v4  }
0x6b: {  	[tilespmem:v2+s21+$0xFFFFFFA0 ss:$0x1] =	vst.idx.msk $0xffff, v5  }
0x6c: {  	[tilespmem:v2+s21+$0xFFFFFFB0 ss:$0x1] =	vst.idx.msk $0xffff, v6  }
0x6d: {  	[tilespmem:v2+s21+$0xFFFFFFC0 ss:$0x1] =	vst.idx.msk $0xffff, v8  }
0x6e: {  	s23 =	sshll.u32 s17, $0xE;
	s17 =	sadd.s32 $0x1, s17;
	[tilespmem:v2+s21+$0xFFFFFFD0 ss:$0x1] =	vst.idx.msk $0xffff, v11  }
0x6f: {  	s23 =	sadd.s32 s5, s23;
	p0 =	sne.s32 s17, $0x8;
	[tilespmem:v2+s21+$0xFFFFFFE0 ss:$0x1] =	vst.idx.msk $0xffff, v10  }
.Ltmp2:
0x70: {  	s29 =	sadd.s32 $0x4800, s22;
	s23 =	sshrl.u32 s23, $0x3;
	[tilespmem:v2+s21+$0xFFFFFFF0 ss:$0x1] =	vst.idx.msk $0xffff, v7;
	(pc) =	sbr.rel @p0 .LBB2_3-.Ltmp2, $4  }
0x71: {  	s30 =	sadd.s32 $0x8800, s22;
	s18 =	sadd.s32 $0x800, s18;
	s24 =	sadd.s32 s2, s23;
	[tilespmem:v2+s21+$0x0 ss:$0x1] =	vst.idx.msk $0xffff, v3  }
0x72: {  	[hbm4b:s24+s10] =	stream.strided.scatter [tilespmem:s29], [sflag:$0x1], $0x800, s11, s10, $0x38;
	[tilespmem:$0xC800] =	vst v63  }
0x73: {  	s19 =	sadd.s32 $0x800, s19;
	s20 =	sadd.s32 $0x800, s20;
	s31 =	sadd.s32 s3, s23  }
0x74: {  	[hbm4b:s31+s10] =	stream.strided.scatter [tilespmem:s30], [sflag:$0x2], $0x800, s11, s10, $0x38;
	[tilespmem:$0xC800] =	vst v63  }
0x75: {  	s4 =	sadd.s32 $0x1, s4  }
0x76: {  	_ =	swait.ge [sflag:s16], $0x4000;
	p0 =	sne.s32 s4, s9  }
.Ltmp3:
0x77: {  	[sflag:s16] =	ssyncset.done $0x0;
	(pc) =	sbr.rel @p0 .LBB2_2-.Ltmp3, $4  }
0x78: {  	[sflag:s16] =	ssyncadd.s32 $0xFFFFC000  }
0x79: {  	_ =	swait.ge [sflag:s14], $0x4000  }
0x7a: {  	[sflag:s14] =	ssyncset.done $0x0  }
0x7b: {  	[sflag:s14] =	ssyncadd.s32 $0xFFFFC000  }
.LBB2_7:
0x7c: {  	_ =	sfence.sel $0x180000  }
0x7d: {  	[bflag:$0x0] =	sbarrier.arrive $0xFFFF  }
0x7e: {  	p0 =	sne.s32 s1, $0x0;
	_ =	strace $0x90000047  }
0x7f: {  	s0 =	sadd.s32 @!p0 $0x100000, s0;
	[bflag:$0x2] =	sbarrier.arrive $0xFFFF  }
0x80: {  	[sflag:s0] =	ssyncadd.tile.s32 @!p0 $0x1;
	_ =	shalt  }
.Lfunc_end2:
_tile_overlayer_lowered:
.L_overlay_start_2:
0x81: {  	(tag) =	ssettag $0x2  }
0x82: {  	s0 =	rddreg [dreg:$0x0];
	s2 =	stileid.u32  }
0x83: {  	s1 =	rddreg [dreg:$0x1];
	p0 =	sne.s32 s2, $0x0  }
0x84: {  	s3 =	rddreg [dreg:$0x2];
	[bflag:$0x3] =	sbarrier.arrive $0xFFFF;
	s2 =	simm.s32 @!p0 $0x1C04  }
0x85: {  	[timem:s3], [sflag:s2] =	dma.local @!p0 [hbm:s0], s1  }
0x86: {  	s0 =	simm.s32 @!p0 $0x4  }
0x87: {  	_ =	swait.ge @!p0 [sflag:s0], s1  }
0x88: {  	s1 =	ssub.s32 @!p0 $0x0, s1;
	[sflag:s0] =	ssyncset.done @!p0 $0x0  }
0x89: {  	[sflag:s0] =	ssyncadd.s32 @!p0 s1  }
0x8a: {  	[bflag:$0x3] =	sbarrier.arrive $0xFFFF  }
0x8b: {  	_ =	shalt  }

</sc_bundles>
